<compile_context>
chip_gen: v7x
topology: tpu7x:2x2x1
jax: 0.10.2.dev20260603
libtpu: 0.0.44.dev20260713+nightly
codegen_flags: <defaults>
</compile_context>

<pallas_src>
import functools

import jax
import jax.numpy as jnp
from jax import lax
from jax.experimental import pallas as pl
from jax.experimental.pallas import tpu as pltpu
from jax.experimental.pallas import tpu_sc as plsc

DICT_SIZE = 1000000
SEQ_LENGTH = 200
EMB_DIM = 32
INTERMEDIATE_DIM = 1024
BATCH = 4096
BASE_FREQ = 10000.0
FLAT_DIM = SEQ_LENGTH * EMB_DIM

TOTAL_ROWS = BATCH * SEQ_LENGTH
NUM_WORKERS = 32
IDX_ROW = 128
GATHERS_PER_CHUNK = 8
CHUNK = IDX_ROW * GATHERS_PER_CHUNK
ROWS_PER_WORKER = TOTAL_ROWS // NUM_WORKERS
CHUNKS_PER_WORKER = ROWS_PER_WORKER // CHUNK
IDX_ROWS_PER_WORKER = ROWS_PER_WORKER // IDX_ROW

BM = 256
TB = 256


def _idx_t_body(x_ref, out_ref):
    out_ref[...] = x_ref[...].T


def _idx_transpose(idx_T):
    return pl.pallas_call(
        _idx_t_body,
        grid=(BATCH // TB,),
        in_specs=[pl.BlockSpec((SEQ_LENGTH, TB), lambda i: (0, i))],
        out_specs=pl.BlockSpec((TB, SEQ_LENGTH), lambda i: (i, 0)),
        out_shape=jax.ShapeDtypeStruct((BATCH, SEQ_LENGTH), jnp.int32),
    )(idx_T)


TTB = 16384


def _tab_t_body(x_ref, out_ref):
    t4 = x_ref[...].T.reshape(TTB // 4, 4, EMB_DIM)
    for j in range(4):
        out_ref[:, 32 * j:32 * (j + 1)] = t4[:, j, :]


def _tab_transpose(table_T):
    return pl.pallas_call(
        _tab_t_body,
        grid=(pl.cdiv(DICT_SIZE, TTB),),
        in_specs=[pl.BlockSpec((EMB_DIM, TTB), lambda i: (0, i))],
        out_specs=pl.BlockSpec((TTB // 4, 128), lambda i: (i, 0)),
        out_shape=jax.ShapeDtypeStruct((DICT_SIZE // 4, 128), jnp.float32),
    )(table_T)


def _sc_gather_body(idx_hbm, table_hbm, out_hbm, idx_v, rows_v, sem):
    c = lax.axis_index("c")
    s = lax.axis_index("s")
    wid = s * 2 + c
    idx_row_base = wid * IDX_ROWS_PER_WORKER

    def chunk_body(i, carry):
        row0 = idx_row_base + i * GATHERS_PER_CHUNK
        pltpu.sync_copy(idx_hbm.at[pl.ds(row0, GATHERS_PER_CHUNK)], idx_v)
        copies = []
        for j in range(GATHERS_PER_CHUNK):
            copies.append(
                pltpu.async_copy(
                    table_hbm.at[idx_v.at[j]],
                    rows_v.at[pl.ds(j * IDX_ROW, IDX_ROW)],
                    sem,
                )
            )
        for cp in copies:
            cp.wait()
        pltpu.sync_copy(rows_v, out_hbm.at[pl.ds(row0 * IDX_ROW, CHUNK)])
        return carry

    lax.fori_loop(0, CHUNKS_PER_WORKER, chunk_body, 0)


@jax.jit
def _sc_gather(idx2d, table):
    mesh = plsc.VectorSubcoreMesh(core_axis_name="c", subcore_axis_name="s")
    return pl.kernel(
        _sc_gather_body,
        out_type=jax.ShapeDtypeStruct((TOTAL_ROWS, EMB_DIM), jnp.float32),
        mesh=mesh,
        scratch_types=[
            pltpu.VMEM((GATHERS_PER_CHUNK, IDX_ROW), jnp.int32),
            pltpu.VMEM((CHUNK, EMB_DIM), jnp.float32),
            pltpu.SemaphoreType.DMA,
        ],
        compiler_params=pltpu.CompilerParams(use_tc_tiling_on_sc=False),
    )(idx2d, table)


def _mlp_body(x_ref, pe_ref, w1_ref, b1_ref, w2_ref, b2_ref, out_ref):
    x = x_ref[...] + pe_ref[...]
    h = jnp.dot(x, w1_ref[...], preferred_element_type=jnp.float32)
    h = jnp.maximum(h + b1_ref[...], 0.0)
    h = jnp.dot(h, w2_ref[...], preferred_element_type=jnp.float32)
    h = jnp.maximum(h + b2_ref[...], 0.0)
    m = jnp.max(h, axis=-1, keepdims=True)
    e = jnp.exp(h - m)
    lse = jnp.log(jnp.sum(e, axis=-1, keepdims=True)) + m
    out_ref[...] = h - lse


def _mlp(x, pe_flat, W1, b1, W2, b2):
    grid = (BATCH // BM,)
    return pl.pallas_call(
        _mlp_body,
        grid=grid,
        in_specs=[
            pl.BlockSpec((BM, FLAT_DIM), lambda i: (i, 0)),
            pl.BlockSpec((1, FLAT_DIM), lambda i: (0, 0)),
            pl.BlockSpec((FLAT_DIM, INTERMEDIATE_DIM), lambda i: (0, 0)),
            pl.BlockSpec((1, INTERMEDIATE_DIM), lambda i: (0, 0)),
            pl.BlockSpec((INTERMEDIATE_DIM, INTERMEDIATE_DIM), lambda i: (0, 0)),
            pl.BlockSpec((1, INTERMEDIATE_DIM), lambda i: (0, 0)),
        ],
        out_specs=pl.BlockSpec((BM, INTERMEDIATE_DIM), lambda i: (i, 0)),
        out_shape=jax.ShapeDtypeStruct((BATCH, INTERMEDIATE_DIM), jnp.float32),
    )(x, pe_flat, W1, b1, W2, b2)


def _positional_encoding_flat():
    pos = jnp.arange(SEQ_LENGTH, dtype=jnp.float32)[:, None]
    i = jnp.arange(0, EMB_DIM, 2, dtype=jnp.float32)[None, :]
    angle = pos / jnp.power(BASE_FREQ, i / EMB_DIM)
    pe = jnp.zeros((SEQ_LENGTH, EMB_DIM), dtype=jnp.float32)
    pe = pe.at[:, 0::2].set(jnp.sin(angle))
    pe = pe.at[:, 1::2].set(jnp.cos(angle))
    return pe.reshape(1, FLAT_DIM)


def kernel(indexed_sentences, emb_table, W1, b1, W2, b2):
    idx_T = indexed_sentences.astype(jnp.int32).T
    idx_bt = _idx_transpose(idx_T)
    idx2d = idx_bt.reshape(TOTAL_ROWS // IDX_ROW, IDX_ROW)
    table_rm = _tab_transpose(emb_table.T).reshape(DICT_SIZE, EMB_DIM)
    emb_rows = _sc_gather(idx2d, table_rm)
    x = emb_rows.reshape(BATCH, FLAT_DIM)
    pe_flat = _positional_encoding_flat()
    return _mlp(
        x, pe_flat, W1, b1.reshape(1, -1), W2, b2.reshape(1, -1)
    )

# --- scband reference (transcript-rebuilt; emitter-appended) ---
"""Pipeline reference for scband-dense-clf-36283883716865 (READ-ONLY COPY).

The authoritative reference and input builder live on the scoring server;
editing this copy changes nothing except your own understanding.
"""

import jax, jax.numpy as jnp
import numpy as np

DICT_SIZE = 1000000
SEQ_LENGTH = 200
EMB_DIM = 32
INTERMEDIATE_DIM = 1024
NUM_LAYERS = 2
BATCH = 4096
BASE_FREQ = 10000.0
EMB_SCALE = 1.0


def _positional_encoding():
    pos = jnp.arange(SEQ_LENGTH, dtype=jnp.float32)[:, None]
    i = jnp.arange(0, EMB_DIM, 2, dtype=jnp.float32)[None, :]
    angle = pos / jnp.power(BASE_FREQ, i / EMB_DIM)
    pe = jnp.zeros((SEQ_LENGTH, EMB_DIM), dtype=jnp.float32)
    pe = pe.at[:, 0::2].set(jnp.sin(angle))
    pe = pe.at[:, 1::2].set(jnp.cos(angle))
    return pe


def setup_inputs(seed: int = 0) -> dict:
    key = jax.random.key(seed)
    k_idx, k_tab, k_w1, k_b1, k_w2, k_b2 = jax.random.split(key, 6)
    indexed_sentences = jax.random.randint(k_idx, (BATCH, SEQ_LENGTH), 0, DICT_SIZE, dtype=jnp.int64 if jax.config.jax_enable_x64 else jnp.int32)
    emb_table = jax.random.normal(k_tab, (DICT_SIZE, EMB_DIM), dtype=jnp.float32) * 0.02
    flat_dim = SEQ_LENGTH * EMB_DIM
    W1 = jax.random.normal(k_w1, (flat_dim, INTERMEDIATE_DIM), dtype=jnp.float32) * (1.0 / np.sqrt(flat_dim))
    b1 = jnp.zeros((INTERMEDIATE_DIM,), dtype=jnp.float32)
    W2 = jax.random.normal(k_w2, (INTERMEDIATE_DIM, INTERMEDIATE_DIM), dtype=jnp.float32) * (1.0 / np.sqrt(INTERMEDIATE_DIM))
    b2 = jnp.zeros((INTERMEDIATE_DIM,), dtype=jnp.float32)
    return {"indexed_sentences": indexed_sentences, "emb_table": emb_table, "W1": W1, "b1": b1, "W2": W2, "b2": b2}


def reference(indexed_sentences, emb_table, W1, b1, W2, b2):
    # Embedding lookup (gather)
    x = jnp.take(emb_table, indexed_sentences, axis=0) * EMB_SCALE  # [B, S, D]
    # Positional encoding (dropout is identity in eval mode)
    x = x + _positional_encoding()[None, :, :]
    # Flatten per batch element
    batch_size = x.shape[0]
    x = x.reshape(batch_size, -1)
    # Intermediate dense layers
    x = jax.nn.relu(x @ W1 + b1)
    x = jax.nn.relu(x @ W2 + b2)
    return jax.nn.log_softmax(x, axis=-1)

if __name__ == "__main__":
    import jax
    _d = setup_inputs()
    print(jax.jit(kernel)(*tuple(_d.values())))

</pallas_src>

<mosaic_0001>
#map = affine_map<(d0, d1) -> (0, 0)>
module attributes {stable_mosaic.version = 14 : i64} {
  func.func @_sc_gather_body(%arg0: i32, %arg1: i32, %arg2: memref<6400x128xi32, #tpu.memory_space<hbm>>, %arg3: memref<1000000x32xf32, #tpu.memory_space<hbm>>, %arg4: memref<819200x32xf32, #tpu.memory_space<hbm>>, %arg5: memref<8x128xi32, #tpu.memory_space<vmem>>, %arg6: memref<1024x32xf32, #tpu.memory_space<vmem>>, %arg7: memref<!tpu.dma_semaphore, #tpu.memory_space<semaphore_mem>>) attributes {dimension_semantics = [#tpu.dimension_semantics<core_parallel>, #tpu.dimension_semantics<subcore_parallel>], iteration_bounds = array<i64: 2, 16>, scalar_prefetch = 0 : i64, scratch_operands = 3 : i64, tpu.core_type = #tpu.core_type<sc_vector_subcore>, window_params = [{transform_indices = #map}, {transform_indices = #map}, {transform_indices = #map}]} {
    %mul3A = arith.constant 2 : i32
    %mul3A_0 = arith.muli %arg1, %mul3A : i32
    %add3A = arith.addi %mul3A_0, %arg0 : i32
    %mul3A_1 = arith.constant 200 : i32
    %mul3A_2 = arith.muli %add3A, %mul3A_1 : i32
    %scan3A = arith.constant 0 : i32
    %scan3A_3 = arith.constant 0 : i32
    %scan3A_4 = arith.constant 25 : i32
    %scan3A_5 = arith.addi %scan3A_3, %scan3A_4 : i32
    %scan3A_6 = arith.constant 1 : i32
    scf.for %scan3A_8 = %scan3A_3 to %scan3A_5 step %scan3A_6  : i32 {
      %mul3A_9 = arith.constant 8 : i32
      %mul3A_10 = arith.muli %scan3A_8, %mul3A_9 : i32
      %add3A_11 = arith.addi %mul3A_2, %mul3A_10 : i32
      "tpu.region"() ({
        %run_scoped3A = tpu.sem_alloc : memref<!tpu.dma_semaphore, #tpu.memory_space<semaphore_mem>>
        %dma_start3A_172 = arith.constant 0 : i32
        %dma_start3A_173 = tpu.memref_slice %arg2[%add3A_11, %dma_start3A_172] : memref<6400x128xi32, #tpu.memory_space<hbm>> -> memref<8x128xi32, #tpu.memory_space<hbm>>
        %dma_start3A_174 = arith.constant 0 : i32
        %dma_start3A_175 = tpu.memref_slice %arg2[%add3A_11, %dma_start3A_174] : memref<6400x128xi32, #tpu.memory_space<hbm>> -> memref<8x128xi32, #tpu.memory_space<hbm>>
        tpu.enqueue_dma source(%dma_start3A_175 : memref<8x128xi32, #tpu.memory_space<hbm>>) target(%arg5 : memref<8x128xi32, #tpu.memory_space<vmem>>) target_semaphore(%run_scoped3A : memref<!tpu.dma_semaphore, #tpu.memory_space<semaphore_mem>>)
        %dma_wait3A_176 = arith.constant 0 : i32
        %dma_wait3A_177 = tpu.memref_slice %arg2[%add3A_11, %dma_wait3A_176] : memref<6400x128xi32, #tpu.memory_space<hbm>> -> memref<8x128xi32, #tpu.memory_space<hbm>>
        %dma_wait3A_178 = arith.constant 0 : i32
        %dma_wait3A_179 = tpu.memref_slice %arg2[%add3A_11, %dma_wait3A_178] : memref<6400x128xi32, #tpu.memory_space<hbm>> -> memref<8x128xi32, #tpu.memory_space<hbm>>
        tpu.wait_dma2 semaphore(%run_scoped3A : memref<!tpu.dma_semaphore, #tpu.memory_space<semaphore_mem>>) src(%dma_wait3A_179 : memref<8x128xi32, #tpu.memory_space<hbm>>) dst(%arg5 : memref<8x128xi32, #tpu.memory_space<vmem>>)
        tpu.yield
      }) : () -> ()
      %dma_start3A = arith.constant 0 : i32
      %dma_start3A_12 = arith.constant 0 : i32
      %dma_start3A_13 = arith.constant 0 : i32
      %dma_start3A_14 = tpu.memref_slice %arg6[%dma_start3A_12, %dma_start3A_13] : memref<1024x32xf32, #tpu.memory_space<vmem>> -> memref<128x32xf32, #tpu.memory_space<vmem>>
      %dma_start3A_15 = arith.constant 0 : i32
      %dma_start3A_16 = tpu.memref_slice %arg5[%dma_start3A, %dma_start3A_15] : memref<8x128xi32, #tpu.memory_space<vmem>> -> memref<1x128xi32, #tpu.memory_space<vmem>>
      %dma_start3A_17 = tpu.memref_squeeze %dma_start3A_16 : memref<1x128xi32, #tpu.memory_space<vmem>> -> memref<128xi32, #tpu.memory_space<vmem>>
      %dma_start3A_18 = arith.constant 0 : i32
      %dma_start3A_19 = arith.constant 0 : i32
      %dma_start3A_20 = tpu.memref_slice %arg3[%dma_start3A_18, %dma_start3A_19] : memref<1000000x32xf32, #tpu.memory_space<hbm>> -> memref<1000000x32xf32, #tpu.memory_space<hbm>>
      tpu.enqueue_indirect_dma source(%dma_start3A_20 : memref<1000000x32xf32, #tpu.memory_space<hbm>>) target(%dma_start3A_14 : memref<128x32xf32, #tpu.memory_space<vmem>>) offsets(%dma_start3A_17 : memref<128xi32, #tpu.memory_space<vmem>>) semaphore(%arg7 : memref<!tpu.dma_semaphore, #tpu.memory_space<semaphore_mem>>)
      %dma_start3A_21 = arith.constant 1 : i32
      %dma_start3A_22 = arith.constant 128 : i32
      %dma_start3A_23 = arith.constant 0 : i32
      %dma_start3A_24 = tpu.memref_slice %arg6[%dma_start3A_22, %dma_start3A_23] : memref<1024x32xf32, #tpu.memory_space<vmem>> -> memref<128x32xf32, #tpu.memory_space<vmem>>
      %dma_start3A_25 = arith.constant 0 : i32
      %dma_start3A_26 = tpu.memref_slice %arg5[%dma_start3A_21, %dma_start3A_25] : memref<8x128xi32, #tpu.memory_space<vmem>> -> memref<1x128xi32, #tpu.memory_space<vmem>>
      %dma_start3A_27 = tpu.memref_squeeze %dma_start3A_26 : memref<1x128xi32, #tpu.memory_space<vmem>> -> memref<128xi32, #tpu.memory_space<vmem>>
      %dma_start3A_28 = arith.constant 0 : i32
      %dma_start3A_29 = arith.constant 0 : i32
      %dma_start3A_30 = tpu.memref_slice %arg3[%dma_start3A_28, %dma_start3A_29] : memref<1000000x32xf32, #tpu.memory_space<hbm>> -> memref<1000000x32xf32, #tpu.memory_space<hbm>>
      tpu.enqueue_indirect_dma source(%dma_start3A_30 : memref<1000000x32xf32, #tpu.memory_space<hbm>>) target(%dma_start3A_24 : memref<128x32xf32, #tpu.memory_space<vmem>>) offsets(%dma_start3A_27 : memref<128xi32, #tpu.memory_space<vmem>>) semaphore(%arg7 : memref<!tpu.dma_semaphore, #tpu.memory_space<semaphore_mem>>)
      %dma_start3A_31 = arith.constant 2 : i32
      %dma_start3A_32 = arith.constant 256 : i32
      %dma_start3A_33 = arith.constant 0 : i32
      %dma_start3A_34 = tpu.memref_slice %arg6[%dma_start3A_32, %dma_start3A_33] : memref<1024x32xf32, #tpu.memory_space<vmem>> -> memref<128x32xf32, #tpu.memory_space<vmem>>
      %dma_start3A_35 = arith.constant 0 : i32
      %dma_start3A_36 = tpu.memref_slice %arg5[%dma_start3A_31, %dma_start3A_35] : memref<8x128xi32, #tpu.memory_space<vmem>> -> memref<1x128xi32, #tpu.memory_space<vmem>>
      %dma_start3A_37 = tpu.memref_squeeze %dma_start3A_36 : memref<1x128xi32, #tpu.memory_space<vmem>> -> memref<128xi32, #tpu.memory_space<vmem>>
      %dma_start3A_38 = arith.constant 0 : i32
      %dma_start3A_39 = arith.constant 0 : i32
      %dma_start3A_40 = tpu.memref_slice %arg3[%dma_start3A_38, %dma_start3A_39] : memref<1000000x32xf32, #tpu.memory_space<hbm>> -> memref<1000000x32xf32, #tpu.memory_space<hbm>>
      tpu.enqueue_indirect_dma source(%dma_start3A_40 : memref<1000000x32xf32, #tpu.memory_space<hbm>>) target(%dma_start3A_34 : memref<128x32xf32, #tpu.memory_space<vmem>>) offsets(%dma_start3A_37 : memref<128xi32, #tpu.memory_space<vmem>>) semaphore(%arg7 : memref<!tpu.dma_semaphore, #tpu.memory_space<semaphore_mem>>)
      %dma_start3A_41 = arith.constant 3 : i32
      %dma_start3A_42 = arith.constant 384 : i32
      %dma_start3A_43 = arith.constant 0 : i32
      %dma_start3A_44 = tpu.memref_slice %arg6[%dma_start3A_42, %dma_start3A_43] : memref<1024x32xf32, #tpu.memory_space<vmem>> -> memref<128x32xf32, #tpu.memory_space<vmem>>
      %dma_start3A_45 = arith.constant 0 : i32
      %dma_start3A_46 = tpu.memref_slice %arg5[%dma_start3A_41, %dma_start3A_45] : memref<8x128xi32, #tpu.memory_space<vmem>> -> memref<1x128xi32, #tpu.memory_space<vmem>>
      %dma_start3A_47 = tpu.memref_squeeze %dma_start3A_46 : memref<1x128xi32, #tpu.memory_space<vmem>> -> memref<128xi32, #tpu.memory_space<vmem>>
      %dma_start3A_48 = arith.constant 0 : i32
      %dma_start3A_49 = arith.constant 0 : i32
      %dma_start3A_50 = tpu.memref_slice %arg3[%dma_start3A_48, %dma_start3A_49] : memref<1000000x32xf32, #tpu.memory_space<hbm>> -> memref<1000000x32xf32, #tpu.memory_space<hbm>>
      tpu.enqueue_indirect_dma source(%dma_start3A_50 : memref<1000000x32xf32, #tpu.memory_space<hbm>>) target(%dma_start3A_44 : memref<128x32xf32, #tpu.memory_space<vmem>>) offsets(%dma_start3A_47 : memref<128xi32, #tpu.memory_space<vmem>>) semaphore(%arg7 : memref<!tpu.dma_semaphore, #tpu.memory_space<semaphore_mem>>)
      %dma_start3A_51 = arith.constant 4 : i32
      %dma_start3A_52 = arith.constant 512 : i32
      %dma_start3A_53 = arith.constant 0 : i32
      %dma_start3A_54 = tpu.memref_slice %arg6[%dma_start3A_52, %dma_start3A_53] : memref<1024x32xf32, #tpu.memory_space<vmem>> -> memref<128x32xf32, #tpu.memory_space<vmem>>
      %dma_start3A_55 = arith.constant 0 : i32
      %dma_start3A_56 = tpu.memref_slice %arg5[%dma_start3A_51, %dma_start3A_55] : memref<8x128xi32, #tpu.memory_space<vmem>> -> memref<1x128xi32, #tpu.memory_space<vmem>>
      %dma_start3A_57 = tpu.memref_squeeze %dma_start3A_56 : memref<1x128xi32, #tpu.memory_space<vmem>> -> memref<128xi32, #tpu.memory_space<vmem>>
      %dma_start3A_58 = arith.constant 0 : i32
      %dma_start3A_59 = arith.constant 0 : i32
      %dma_start3A_60 = tpu.memref_slice %arg3[%dma_start3A_58, %dma_start3A_59] : memref<1000000x32xf32, #tpu.memory_space<hbm>> -> memref<1000000x32xf32, #tpu.memory_space<hbm>>
      tpu.enqueue_indirect_dma source(%dma_start3A_60 : memref<1000000x32xf32, #tpu.memory_space<hbm>>) target(%dma_start3A_54 : memref<128x32xf32, #tpu.memory_space<vmem>>) offsets(%dma_start3A_57 : memref<128xi32, #tpu.memory_space<vmem>>) semaphore(%arg7 : memref<!tpu.dma_semaphore, #tpu.memory_space<semaphore_mem>>)
      %dma_start3A_61 = arith.constant 5 : i32
      %dma_start3A_62 = arith.constant 640 : i32
      %dma_start3A_63 = arith.constant 0 : i32
      %dma_start3A_64 = tpu.memref_slice %arg6[%dma_start3A_62, %dma_start3A_63] : memref<1024x32xf32, #tpu.memory_space<vmem>> -> memref<128x32xf32, #tpu.memory_space<vmem>>
      %dma_start3A_65 = arith.constant 0 : i32
      %dma_start3A_66 = tpu.memref_slice %arg5[%dma_start3A_61, %dma_start3A_65] : memref<8x128xi32, #tpu.memory_space<vmem>> -> memref<1x128xi32, #tpu.memory_space<vmem>>
      %dma_start3A_67 = tpu.memref_squeeze %dma_start3A_66 : memref<1x128xi32, #tpu.memory_space<vmem>> -> memref<128xi32, #tpu.memory_space<vmem>>
      %dma_start3A_68 = arith.constant 0 : i32
      %dma_start3A_69 = arith.constant 0 : i32
      %dma_start3A_70 = tpu.memref_slice %arg3[%dma_start3A_68, %dma_start3A_69] : memref<1000000x32xf32, #tpu.memory_space<hbm>> -> memref<1000000x32xf32, #tpu.memory_space<hbm>>
      tpu.enqueue_indirect_dma source(%dma_start3A_70 : memref<1000000x32xf32, #tpu.memory_space<hbm>>) target(%dma_start3A_64 : memref<128x32xf32, #tpu.memory_space<vmem>>) offsets(%dma_start3A_67 : memref<128xi32, #tpu.memory_space<vmem>>) semaphore(%arg7 : memref<!tpu.dma_semaphore, #tpu.memory_space<semaphore_mem>>)
      %dma_start3A_71 = arith.constant 6 : i32
      %dma_start3A_72 = arith.constant 768 : i32
      %dma_start3A_73 = arith.constant 0 : i32
      %dma_start3A_74 = tpu.memref_slice %arg6[%dma_start3A_72, %dma_start3A_73] : memref<1024x32xf32, #tpu.memory_space<vmem>> -> memref<128x32xf32, #tpu.memory_space<vmem>>
      %dma_start3A_75 = arith.constant 0 : i32
      %dma_start3A_76 = tpu.memref_slice %arg5[%dma_start3A_71, %dma_start3A_75] : memref<8x128xi32, #tpu.memory_space<vmem>> -> memref<1x128xi32, #tpu.memory_space<vmem>>
      %dma_start3A_77 = tpu.memref_squeeze %dma_start3A_76 : memref<1x128xi32, #tpu.memory_space<vmem>> -> memref<128xi32, #tpu.memory_space<vmem>>
      %dma_start3A_78 = arith.constant 0 : i32
      %dma_start3A_79 = arith.constant 0 : i32
      %dma_start3A_80 = tpu.memref_slice %arg3[%dma_start3A_78, %dma_start3A_79] : memref<1000000x32xf32, #tpu.memory_space<hbm>> -> memref<1000000x32xf32, #tpu.memory_space<hbm>>
      tpu.enqueue_indirect_dma source(%dma_start3A_80 : memref<1000000x32xf32, #tpu.memory_space<hbm>>) target(%dma_start3A_74 : memref<128x32xf32, #tpu.memory_space<vmem>>) offsets(%dma_start3A_77 : memref<128xi32, #tpu.memory_space<vmem>>) semaphore(%arg7 : memref<!tpu.dma_semaphore, #tpu.memory_space<semaphore_mem>>)
      %dma_start3A_81 = arith.constant 7 : i32
      %dma_start3A_82 = arith.constant 896 : i32
      %dma_start3A_83 = arith.constant 0 : i32
      %dma_start3A_84 = tpu.memref_slice %arg6[%dma_start3A_82, %dma_start3A_83] : memref<1024x32xf32, #tpu.memory_space<vmem>> -> memref<128x32xf32, #tpu.memory_space<vmem>>
      %dma_start3A_85 = arith.constant 0 : i32
      %dma_start3A_86 = tpu.memref_slice %arg5[%dma_start3A_81, %dma_start3A_85] : memref<8x128xi32, #tpu.memory_space<vmem>> -> memref<1x128xi32, #tpu.memory_space<vmem>>
      %dma_start3A_87 = tpu.memref_squeeze %dma_start3A_86 : memref<1x128xi32, #tpu.memory_space<vmem>> -> memref<128xi32, #tpu.memory_space<vmem>>
      %dma_start3A_88 = arith.constant 0 : i32
      %dma_start3A_89 = arith.constant 0 : i32
      %dma_start3A_90 = tpu.memref_slice %arg3[%dma_start3A_88, %dma_start3A_89] : memref<1000000x32xf32, #tpu.memory_space<hbm>> -> memref<1000000x32xf32, #tpu.memory_space<hbm>>
      tpu.enqueue_indirect_dma source(%dma_start3A_90 : memref<1000000x32xf32, #tpu.memory_space<hbm>>) target(%dma_start3A_84 : memref<128x32xf32, #tpu.memory_space<vmem>>) offsets(%dma_start3A_87 : memref<128xi32, #tpu.memory_space<vmem>>) semaphore(%arg7 : memref<!tpu.dma_semaphore, #tpu.memory_space<semaphore_mem>>)
      %dma_wait3A = arith.constant 0 : i32
      %dma_wait3A_91 = arith.constant 0 : i32
      %dma_wait3A_92 = arith.constant 0 : i32
      %dma_wait3A_93 = tpu.memref_slice %arg6[%dma_wait3A_91, %dma_wait3A_92] : memref<1024x32xf32, #tpu.memory_space<vmem>> -> memref<128x32xf32, #tpu.memory_space<vmem>>
      %dma_wait3A_94 = arith.constant 0 : i32
      %dma_wait3A_95 = tpu.memref_slice %arg5[%dma_wait3A, %dma_wait3A_94] : memref<8x128xi32, #tpu.memory_space<vmem>> -> memref<1x128xi32, #tpu.memory_space<vmem>>
      %dma_wait3A_96 = tpu.memref_squeeze %dma_wait3A_95 : memref<1x128xi32, #tpu.memory_space<vmem>> -> memref<128xi32, #tpu.memory_space<vmem>>
      %dma_wait3A_97 = arith.constant 0 : i32
      %dma_wait3A_98 = arith.constant 0 : i32
      %dma_wait3A_99 = tpu.memref_slice %arg3[%dma_wait3A_97, %dma_wait3A_98] : memref<1000000x32xf32, #tpu.memory_space<hbm>> -> memref<1000000x32xf32, #tpu.memory_space<hbm>>
      tpu.wait_indirect_dma semaphore(%arg7 : memref<!tpu.dma_semaphore, #tpu.memory_space<semaphore_mem>>) src(%dma_wait3A_99 : memref<1000000x32xf32, #tpu.memory_space<hbm>>) dst(%dma_wait3A_93 : memref<128x32xf32, #tpu.memory_space<vmem>>)
      %dma_wait3A_100 = arith.constant 1 : i32
      %dma_wait3A_101 = arith.constant 128 : i32
      %dma_wait3A_102 = arith.constant 0 : i32
      %dma_wait3A_103 = tpu.memref_slice %arg6[%dma_wait3A_101, %dma_wait3A_102] : memref<1024x32xf32, #tpu.memory_space<vmem>> -> memref<128x32xf32, #tpu.memory_space<vmem>>
      %dma_wait3A_104 = arith.constant 0 : i32
      %dma_wait3A_105 = tpu.memref_slice %arg5[%dma_wait3A_100, %dma_wait3A_104] : memref<8x128xi32, #tpu.memory_space<vmem>> -> memref<1x128xi32, #tpu.memory_space<vmem>>
      %dma_wait3A_106 = tpu.memref_squeeze %dma_wait3A_105 : memref<1x128xi32, #tpu.memory_space<vmem>> -> memref<128xi32, #tpu.memory_space<vmem>>
      %dma_wait3A_107 = arith.constant 0 : i32
      %dma_wait3A_108 = arith.constant 0 : i32
      %dma_wait3A_109 = tpu.memref_slice %arg3[%dma_wait3A_107, %dma_wait3A_108] : memref<1000000x32xf32, #tpu.memory_space<hbm>> -> memref<1000000x32xf32, #tpu.memory_space<hbm>>
      tpu.wait_indirect_dma semaphore(%arg7 : memref<!tpu.dma_semaphore, #tpu.memory_space<semaphore_mem>>) src(%dma_wait3A_109 : memref<1000000x32xf32, #tpu.memory_space<hbm>>) dst(%dma_wait3A_103 : memref<128x32xf32, #tpu.memory_space<vmem>>)
      %dma_wait3A_110 = arith.constant 2 : i32
      %dma_wait3A_111 = arith.constant 256 : i32
      %dma_wait3A_112 = arith.constant 0 : i32
      %dma_wait3A_113 = tpu.memref_slice %arg6[%dma_wait3A_111, %dma_wait3A_112] : memref<1024x32xf32, #tpu.memory_space<vmem>> -> memref<128x32xf32, #tpu.memory_space<vmem>>
      %dma_wait3A_114 = arith.constant 0 : i32
      %dma_wait3A_115 = tpu.memref_slice %arg5[%dma_wait3A_110, %dma_wait3A_114] : memref<8x128xi32, #tpu.memory_space<vmem>> -> memref<1x128xi32, #tpu.memory_space<vmem>>
      %dma_wait3A_116 = tpu.memref_squeeze %dma_wait3A_115 : memref<1x128xi32, #tpu.memory_space<vmem>> -> memref<128xi32, #tpu.memory_space<vmem>>
      %dma_wait3A_117 = arith.constant 0 : i32
      %dma_wait3A_118 = arith.constant 0 : i32
      %dma_wait3A_119 = tpu.memref_slice %arg3[%dma_wait3A_117, %dma_wait3A_118] : memref<1000000x32xf32, #tpu.memory_space<hbm>> -> memref<1000000x32xf32, #tpu.memory_space<hbm>>
      tpu.wait_indirect_dma semaphore(%arg7 : memref<!tpu.dma_semaphore, #tpu.memory_space<semaphore_mem>>) src(%dma_wait3A_119 : memref<1000000x32xf32, #tpu.memory_space<hbm>>) dst(%dma_wait3A_113 : memref<128x32xf32, #tpu.memory_space<vmem>>)
      %dma_wait3A_120 = arith.constant 3 : i32
      %dma_wait3A_121 = arith.constant 384 : i32
      %dma_wait3A_122 = arith.constant 0 : i32
      %dma_wait3A_123 = tpu.memref_slice %arg6[%dma_wait3A_121, %dma_wait3A_122] : memref<1024x32xf32, #tpu.memory_space<vmem>> -> memref<128x32xf32, #tpu.memory_space<vmem>>
      %dma_wait3A_124 = arith.constant 0 : i32
      %dma_wait3A_125 = tpu.memref_slice %arg5[%dma_wait3A_120, %dma_wait3A_124] : memref<8x128xi32, #tpu.memory_space<vmem>> -> memref<1x128xi32, #tpu.memory_space<vmem>>
      %dma_wait3A_126 = tpu.memref_squeeze %dma_wait3A_125 : memref<1x128xi32, #tpu.memory_space<vmem>> -> memref<128xi32, #tpu.memory_space<vmem>>
      %dma_wait3A_127 = arith.constant 0 : i32
      %dma_wait3A_128 = arith.constant 0 : i32
      %dma_wait3A_129 = tpu.memref_slice %arg3[%dma_wait3A_127, %dma_wait3A_128] : memref<1000000x32xf32, #tpu.memory_space<hbm>> -> memref<1000000x32xf32, #tpu.memory_space<hbm>>
      tpu.wait_indirect_dma semaphore(%arg7 : memref<!tpu.dma_semaphore, #tpu.memory_space<semaphore_mem>>) src(%dma_wait3A_129 : memref<1000000x32xf32, #tpu.memory_space<hbm>>) dst(%dma_wait3A_123 : memref<128x32xf32, #tpu.memory_space<vmem>>)
      %dma_wait3A_130 = arith.constant 4 : i32
      %dma_wait3A_131 = arith.constant 512 : i32
      %dma_wait3A_132 = arith.constant 0 : i32
      %dma_wait3A_133 = tpu.memref_slice %arg6[%dma_wait3A_131, %dma_wait3A_132] : memref<1024x32xf32, #tpu.memory_space<vmem>> -> memref<128x32xf32, #tpu.memory_space<vmem>>
      %dma_wait3A_134 = arith.constant 0 : i32
      %dma_wait3A_135 = tpu.memref_slice %arg5[%dma_wait3A_130, %dma_wait3A_134] : memref<8x128xi32, #tpu.memory_space<vmem>> -> memref<1x128xi32, #tpu.memory_space<vmem>>
      %dma_wait3A_136 = tpu.memref_squeeze %dma_wait3A_135 : memref<1x128xi32, #tpu.memory_space<vmem>> -> memref<128xi32, #tpu.memory_space<vmem>>
      %dma_wait3A_137 = arith.constant 0 : i32
      %dma_wait3A_138 = arith.constant 0 : i32
      %dma_wait3A_139 = tpu.memref_slice %arg3[%dma_wait3A_137, %dma_wait3A_138] : memref<1000000x32xf32, #tpu.memory_space<hbm>> -> memref<1000000x32xf32, #tpu.memory_space<hbm>>
      tpu.wait_indirect_dma semaphore(%arg7 : memref<!tpu.dma_semaphore, #tpu.memory_space<semaphore_mem>>) src(%dma_wait3A_139 : memref<1000000x32xf32, #tpu.memory_space<hbm>>) dst(%dma_wait3A_133 : memref<128x32xf32, #tpu.memory_space<vmem>>)
      %dma_wait3A_140 = arith.constant 5 : i32
      %dma_wait3A_141 = arith.constant 640 : i32
      %dma_wait3A_142 = arith.constant 0 : i32
      %dma_wait3A_143 = tpu.memref_slice %arg6[%dma_wait3A_141, %dma_wait3A_142] : memref<1024x32xf32, #tpu.memory_space<vmem>> -> memref<128x32xf32, #tpu.memory_space<vmem>>
      %dma_wait3A_144 = arith.constant 0 : i32
      %dma_wait3A_145 = tpu.memref_slice %arg5[%dma_wait3A_140, %dma_wait3A_144] : memref<8x128xi32, #tpu.memory_space<vmem>> -> memref<1x128xi32, #tpu.memory_space<vmem>>
      %dma_wait3A_146 = tpu.memref_squeeze %dma_wait3A_145 : memref<1x128xi32, #tpu.memory_space<vmem>> -> memref<128xi32, #tpu.memory_space<vmem>>
      %dma_wait3A_147 = arith.constant 0 : i32
      %dma_wait3A_148 = arith.constant 0 : i32
      %dma_wait3A_149 = tpu.memref_slice %arg3[%dma_wait3A_147, %dma_wait3A_148] : memref<1000000x32xf32, #tpu.memory_space<hbm>> -> memref<1000000x32xf32, #tpu.memory_space<hbm>>
      tpu.wait_indirect_dma semaphore(%arg7 : memref<!tpu.dma_semaphore, #tpu.memory_space<semaphore_mem>>) src(%dma_wait3A_149 : memref<1000000x32xf32, #tpu.memory_space<hbm>>) dst(%dma_wait3A_143 : memref<128x32xf32, #tpu.memory_space<vmem>>)
      %dma_wait3A_150 = arith.constant 6 : i32
      %dma_wait3A_151 = arith.constant 768 : i32
      %dma_wait3A_152 = arith.constant 0 : i32
      %dma_wait3A_153 = tpu.memref_slice %arg6[%dma_wait3A_151, %dma_wait3A_152] : memref<1024x32xf32, #tpu.memory_space<vmem>> -> memref<128x32xf32, #tpu.memory_space<vmem>>
      %dma_wait3A_154 = arith.constant 0 : i32
      %dma_wait3A_155 = tpu.memref_slice %arg5[%dma_wait3A_150, %dma_wait3A_154] : memref<8x128xi32, #tpu.memory_space<vmem>> -> memref<1x128xi32, #tpu.memory_space<vmem>>
      %dma_wait3A_156 = tpu.memref_squeeze %dma_wait3A_155 : memref<1x128xi32, #tpu.memory_space<vmem>> -> memref<128xi32, #tpu.memory_space<vmem>>
      %dma_wait3A_157 = arith.constant 0 : i32
      %dma_wait3A_158 = arith.constant 0 : i32
      %dma_wait3A_159 = tpu.memref_slice %arg3[%dma_wait3A_157, %dma_wait3A_158] : memref<1000000x32xf32, #tpu.memory_space<hbm>> -> memref<1000000x32xf32, #tpu.memory_space<hbm>>
      tpu.wait_indirect_dma semaphore(%arg7 : memref<!tpu.dma_semaphore, #tpu.memory_space<semaphore_mem>>) src(%dma_wait3A_159 : memref<1000000x32xf32, #tpu.memory_space<hbm>>) dst(%dma_wait3A_153 : memref<128x32xf32, #tpu.memory_space<vmem>>)
      %dma_wait3A_160 = arith.constant 7 : i32
      %dma_wait3A_161 = arith.constant 896 : i32
      %dma_wait3A_162 = arith.constant 0 : i32
      %dma_wait3A_163 = tpu.memref_slice %arg6[%dma_wait3A_161, %dma_wait3A_162] : memref<1024x32xf32, #tpu.memory_space<vmem>> -> memref<128x32xf32, #tpu.memory_space<vmem>>
      %dma_wait3A_164 = arith.constant 0 : i32
      %dma_wait3A_165 = tpu.memref_slice %arg5[%dma_wait3A_160, %dma_wait3A_164] : memref<8x128xi32, #tpu.memory_space<vmem>> -> memref<1x128xi32, #tpu.memory_space<vmem>>
      %dma_wait3A_166 = tpu.memref_squeeze %dma_wait3A_165 : memref<1x128xi32, #tpu.memory_space<vmem>> -> memref<128xi32, #tpu.memory_space<vmem>>
      %dma_wait3A_167 = arith.constant 0 : i32
      %dma_wait3A_168 = arith.constant 0 : i32
      %dma_wait3A_169 = tpu.memref_slice %arg3[%dma_wait3A_167, %dma_wait3A_168] : memref<1000000x32xf32, #tpu.memory_space<hbm>> -> memref<1000000x32xf32, #tpu.memory_space<hbm>>
      tpu.wait_indirect_dma semaphore(%arg7 : memref<!tpu.dma_semaphore, #tpu.memory_space<semaphore_mem>>) src(%dma_wait3A_169 : memref<1000000x32xf32, #tpu.memory_space<hbm>>) dst(%dma_wait3A_163 : memref<128x32xf32, #tpu.memory_space<vmem>>)
      %mul3A_170 = arith.constant 128 : i32
      %mul3A_171 = arith.muli %add3A_11, %mul3A_170 : i32
      "tpu.region"() ({
        %run_scoped3A = tpu.sem_alloc : memref<!tpu.dma_semaphore, #tpu.memory_space<semaphore_mem>>
        %dma_start3A_172 = arith.constant 0 : i32
        %dma_start3A_173 = tpu.memref_slice %arg4[%mul3A_171, %dma_start3A_172] : memref<819200x32xf32, #tpu.memory_space<hbm>> -> memref<1024x32xf32, #tpu.memory_space<hbm>>
        %dma_start3A_174 = arith.constant 0 : i32
        %dma_start3A_175 = tpu.memref_slice %arg4[%mul3A_171, %dma_start3A_174] : memref<819200x32xf32, #tpu.memory_space<hbm>> -> memref<1024x32xf32, #tpu.memory_space<hbm>>
        tpu.enqueue_dma source(%arg6 : memref<1024x32xf32, #tpu.memory_space<vmem>>) target(%dma_start3A_175 : memref<1024x32xf32, #tpu.memory_space<hbm>>) target_semaphore(%run_scoped3A : memref<!tpu.dma_semaphore, #tpu.memory_space<semaphore_mem>>)
        %dma_wait3A_176 = arith.constant 0 : i32
        %dma_wait3A_177 = tpu.memref_slice %arg4[%mul3A_171, %dma_wait3A_176] : memref<819200x32xf32, #tpu.memory_space<hbm>> -> memref<1024x32xf32, #tpu.memory_space<hbm>>
        %dma_wait3A_178 = arith.constant 0 : i32
        %dma_wait3A_179 = tpu.memref_slice %arg4[%mul3A_171, %dma_wait3A_178] : memref<819200x32xf32, #tpu.memory_space<hbm>> -> memref<1024x32xf32, #tpu.memory_space<hbm>>
        tpu.wait_dma2 semaphore(%run_scoped3A : memref<!tpu.dma_semaphore, #tpu.memory_space<semaphore_mem>>) src(%arg6 : memref<1024x32xf32, #tpu.memory_space<vmem>>) dst(%dma_wait3A_179 : memref<1024x32xf32, #tpu.memory_space<hbm>>)
        tpu.yield
      }) : () -> ()
    }
    %scan3A_7 = arith.constant 25 : i32
    return
  }
}

</mosaic_0001>

<sc_bundles>
// kernel: _sc_gather.3.cloned.1.call-start
scs
__scs_entry_jumppad:
0x0: {  	(pc) =	sbr.rel $0x88, $3  }
0x1: {  	(tag) =	ssettag $0x0;
	lr =	simm.s32 $0x1  }
0x2: {  	[smem:$0x3F9F] =	sst lr;
	_ =	strace $0xD0000000  }
0x3: {  	_ = 	snop  }
0x4: {  	_ = 	snop  }
0x5: {  	_ = 	snop  }
0x6: {  	_ = 	snop  }
0x7: {  	_ = 	snop  }
__scs_overlays_trampoline_lowered:
0x8: {  	[smem:$0x3FAE] =	sst s0  }
0x9: {  	[smem:$0x3FAF] =	sst s1  }
0xa: {  	[smem:$0x3FB0] =	sst s2  }
0xb: {  	[smem:$0x3FB1] =	sst s3  }
0xc: {  	[smem:$0x3FB2] =	sst s4  }
0xd: {  	[smem:$0x3FB3] =	sst s5  }
0xe: {  	[smem:$0x3FB4] =	sst s6  }
0xf: {  	[smem:$0x3FB5] =	sst s7  }
0x10: {  	[smem:$0x3FB6] =	sst s8  }
0x11: {  	[smem:$0x3FB7] =	sst s9;
	s0 =	simm.s32 @!p0 $0x0  }
0x12: {  	s1 =	sld [smem:$0x3F9D];
	s0 =	simm.s32 @p0 $0x1  }
0x13: {  	[smem:$0x3FB8] =	sst s0;
	s0 =	simm.s32 @!p1 $0x0  }
0x14: {  	s2 =	sld [smem:$0x3F9C];
	s0 =	simm.s32 @p1 $0x1  }
0x15: {  	[smem:$0x3FB9] =	sst s0;
	s0 =	simm.s32 @!p2 $0x0  }
0x16: {  	s3 =	sld [smem:$0x3FDB];
	s0 =	simm.s32 @p2 $0x1  }
0x17: {  	s4 =	simm.s32 $0x1BF5;
	[smem:$0x3FBB] =	sst s0  }
0x18: {  	s0 =	sld [smem:$0x3F9E];
	_ =	swait.ge [sflag:s4], $0x0  }
0x19: {  	s7 =	sld [smem:$0x3F9F]  }
0x1a: {  	s8 =	sadd.s32 $0xFFFFE003, lr  }
0x1b: {  	s9 =	sadd.s32 $0xFFFFFEF7, lr;
	s5 =	simm.s32 $0xFFFFFFFF;
	p2 =	slt.u32 s8, $0xFFFFF086  }
0x1c: {  	p1 =	slt.u32 s9, $0xF7A;
	s5 =	simm.s32 @!p2 $0x0  }
0x1d: {  	s5 =	simm.s32 @p1 $0x1;
	p0 =	seq.s32 s7, s2  }
0x1e: {  	s7 =	smul.u32 @!p0 $0xF7A, s2;
	p2 =	seq.s32 @!p0 s5, $0x0  }
0x1f: {  	s9 =	smul.u32 $0xF7A, s1;
	s8 =	simm.s32 @!p0 $0x1BF5;
	p2 =	por !p2, p0  }
0x20: {  	[sflag:s8] =	ssyncset.s32 @!p0 $0xFFFFF086;
	s6 =	sadd.s32 @!p0 s3, s7;
	s7 =	simm.s32 @!p0 $0x108  }
0x21: {  	s3 =	sadd.s32 s3, s9;
	s6 =	sadd.s32 @!p0 $0x88, s6;
	s7 =	simm.s32 @p2 $0x1082  }
0x22: {  	[simem:s7], [sflag:s8] =	dma.local @!p0 [hbm:s6], $0xF7A  }
0x23: {  	s9 =	sor.u32 $0xD0000000, s2;
	s6 =	simm.s32 $0x108;
	_ =	swait.ge @!p0 [sflag:s8], $0x0  }
0x24: {  	s3 =	sadd.s32 $0x88, s3;
	s6 =	simm.s32 @!p1 $0x1082;
	[sflag:s4] =	ssyncset.s32 $0xFFFFF086  }
0x25: {  	[simem:s6], [sflag:s4] =	dma.local [hbm:s3], $0xF7A  }
0x26: {  	[smem:$0x3F9F] =	sst s1;
	(tag) =	ssettag s2;
	_ =	strace s9  }
0x27: {  	s1 =	sld [smem:$0x3FAF]  }
0x28: {  	s2 =	sld [smem:$0x3FB0]  }
0x29: {  	s4 =	sld [smem:$0x3FB2]  }
0x2a: {  	p0 =	seq.s32 s5, $0x0;
	s5 =	sld [smem:$0x3FB3]  }
0x2b: {  	s6 =	sld [smem:$0x3FB4]  }
0x2c: {  	s7 =	sld [smem:$0x3FB5]  }
0x2d: {  	s3 =	simm.s32 $0x108;
	s8 =	sld [smem:$0x3FB6]  }
0x2e: {  	s3 =	simm.s32 @!p0 $0x1082;
	s9 =	sld [smem:$0x3FB7]  }
0x2f: {  	lr =	sadd.s32 s0, s3;
	s0 =	sld [smem:$0x3FAE]  }
0x30: {  	s3 =	sld [smem:$0x3FB1]  }
0x31: {  	[smem:$0x3FBA] =	sst s10  }
0x32: {  	s10 =	sld [smem:$0x3FB8];
	_ =	sdelay $0x3  }
0x33: {  	p0 =	seq.s32 s10, $0x1;
	s10 =	sld [smem:$0x3FBA];
	_ =	sdelay $0x3  }
0x34: {  	[smem:$0x3FBA] =	sst s10  }
0x35: {  	s10 =	sld [smem:$0x3FB9];
	_ =	sdelay $0x3  }
0x36: {  	p1 =	seq.s32 s10, $0x1;
	s10 =	sld [smem:$0x3FBA];
	_ =	sdelay $0x3  }
0x37: {  	[smem:$0x3FBA] =	sst s10  }
0x38: {  	s10 =	sld [smem:$0x3FBB]  }
0x39: {  	_ = 	snop;
	(pc) =	sbr.ind lr, $3  }
0x3a: {  	_ = 	snop  }
0x3b: {  	_ = 	snop  }
0x3c: {  	p2 =	seq.s32 s10, $0x1;
	s10 =	sld [smem:$0x3FBA]  }
0x3d: {  	_ =	shalt  }
0x3e: {  	_ =	shalt  }
0x3f: {  	_ =	shalt  }
0x40: {  	_ =	shalt  }
0x41: {  	_ =	shalt  }
0x42: {  	_ =	shalt  }
0x43: {  	_ =	shalt  }
0x44: {  	_ =	shalt  }
0x45: {  	_ =	shalt  }
0x46: {  	_ =	shalt  }
0x47: {  	_ =	shalt  }
0x48: {  	_ =	shalt  }
0x49: {  	_ =	shalt  }
0x4a: {  	_ =	shalt  }
0x4b: {  	_ =	shalt  }
0x4c: {  	_ =	shalt  }
0x4d: {  	_ =	shalt  }
0x4e: {  	_ =	shalt  }
0x4f: {  	_ =	shalt  }
0x50: {  	_ =	shalt  }
0x51: {  	_ =	shalt  }
0x52: {  	_ =	shalt  }
0x53: {  	_ =	shalt  }
0x54: {  	_ =	shalt  }
0x55: {  	_ =	shalt  }
0x56: {  	_ =	shalt  }
0x57: {  	_ =	shalt  }
0x58: {  	_ =	shalt  }
0x59: {  	_ =	shalt  }
0x5a: {  	_ =	shalt  }
0x5b: {  	_ =	shalt  }
0x5c: {  	_ =	shalt  }
0x5d: {  	_ =	shalt  }
0x5e: {  	_ =	shalt  }
0x5f: {  	_ =	shalt  }
0x60: {  	_ =	shalt  }
0x61: {  	_ =	shalt  }
0x62: {  	_ =	shalt  }
0x63: {  	_ =	shalt  }
0x64: {  	_ =	shalt  }
0x65: {  	_ =	shalt  }
0x66: {  	_ =	shalt  }
0x67: {  	_ =	shalt  }
0x68: {  	_ =	shalt  }
0x69: {  	_ =	shalt  }
0x6a: {  	_ =	shalt  }
0x6b: {  	_ =	shalt  }
0x6c: {  	_ =	shalt  }
0x6d: {  	_ =	shalt  }
0x6e: {  	_ =	shalt  }
0x6f: {  	_ =	shalt  }
0x70: {  	_ =	shalt  }
0x71: {  	_ =	shalt  }
0x72: {  	_ =	shalt  }
0x73: {  	_ =	shalt  }
0x74: {  	_ =	shalt  }
0x75: {  	_ =	shalt  }
0x76: {  	_ =	shalt  }
0x77: {  	_ =	shalt  }
0x78: {  	_ =	shalt  }
0x79: {  	_ =	shalt  }
0x7a: {  	_ =	shalt  }
0x7b: {  	_ =	shalt  }
0x7c: {  	_ =	shalt  }
0x7d: {  	_ =	shalt  }
0x7e: {  	_ =	shalt  }
0x7f: {  	_ =	shalt  }
0x80: {  	_ =	shalt  }
0x81: {  	_ =	shalt  }
0x82: {  	_ =	shalt  }
0x83: {  	_ =	shalt  }
0x84: {  	_ =	shalt  }
0x85: {  	_ =	shalt  }
0x86: {  	_ =	shalt  }
0x87: {  	_ =	shalt  }
.Lfunc_end0:
.L_simem_size_0:
called_computation.1_lowered:
.L_overlay_start_0:
0x88: {  	s2 =	sld [smem:$0x3FD9]  }
0x89: {  	s3 =	sld [smem:$0x3FFE];
	_ =	sdelay $0x1  }
0x8a: {  	s1 =	srdreg.scid  }
0x8b: {  	s0 =	sand.u32 $0x1, s1  }
0x8c: {  	s17 =	sshll.u32 s0, $0xA;
	s2 =	sadd.s32 s3, s2  }
0x8d: {  	s2 =	sadd.s32 s2, s17  }
0x8e: {  	[smem:$0x3FC6] =	sst s2  }
0x8f: {  	_ = 	snop  }
0x90: {  	s2 =	sld [smem:$0x3FC9]  }
0x91: {  	s18 =	sld [smem:$0x3FD0];
	(tm) =	ssettm $0x1  }
0x92: {  	s4 =	sld [smem:$0x3FFB];
	_ =	sdelay $0x3  }
0x93: {  	_ =	strace s4  }
0x94: {  	s4 =	sld [smem:$0x3FFC];
	_ =	sdelay $0x3  }
0x95: {  	_ =	strace s4  }
0x96: {  	s4 =	sld [smem:$0x3FFD];
	_ =	sdelay $0x3  }
0x97: {  	_ =	strace s4  }
0x98: {  	_ =	strace $0x8FFFFFFF  }
0x99: {  	s19 =	sld [smem:$0x3FDB];
	_ =	sdelay $0x1  }
0x9a: {  	s5 =	simm.s32 $_scs_section_size  }
0x9b: {  	s6 =	simm.s32 $_size__tile_overlayer_lowered;
	s7 =	simm.s32 $_tile_overlayer_lowered  }
0x9c: {  	s22 =	simm.s32 $0x1BFF;
	s21 =	sshll.u32 s7, $0x1;
	s4 =	sadd.s32 s5, s19  }
0x9d: {  	s8 =	simm.s32 $0x0;
	s20 =	sshll.u32 s6, $0x1;
	s6 =	sadd.s32 s21, s4  }
0x9e: {  	[timem:s8], [sflag:s22] =	dma.local [hbm:s6], s20  }
0x9f: {  	_ =	swait.ge [sflag:s22], s20  }
0xa0: {  	s5 =	ssub.s32 $0x0, s20;
	[sflag:s22] =	ssyncset.done $0x0  }
0xa1: {  	[sflag:s22] =	ssyncadd.s32 s5;
	_ =	sdelay $0x1  }
0xa2: {  	s23 =	simm.s32 $0x1B8B  }
0xa3: {  	_ =	swait.ge [sflag:s23], $0x1  }
0xa4: {  	[sflag:s23] =	ssyncset.done $0x0  }
0xa5: {  	s25 =	simm.s32 $0x1B8E;
	s24 =	sld [smem:$0x3FFE];
	[sflag:s23] =	ssyncadd.s32 $0xFFFFFFFF  }
0xa6: {  	s26 =	simm.s32 $execute0_lowered;
	[smem:$0x3FD2] =	sst s25  }
0xa7: {  	s6 =	sshll.u32 s26, $0x1;
	_ =	strace $0x80000046;
	[dreg:$0x1] =	wrdreg $0xFFFFFFFF  }
0xa8: {  	s28 =	simm.s32 $_size_execute0_lowered;
	s4 =	sadd.s32 s4, s6;
	[dreg:$0x0] =	wrdreg $0x0  }
0xa9: {  	s6 =	sshll.u32 s28, $0x1;
	[dreg:$0x2] =	wrdreg s4  }
0xaa: {  	[dreg:$0x3] =	wrdreg s6  }
0xab: {  	[dreg:$0x4] =	wrdreg $0xC0  }
0xac: {  	_ =	task [dreg:s8], $0x5FFFF  }
0xad: {  	[dreg:$0x1] =	wrdreg $0xFFFFFFFF  }
0xae: {  	[dreg:$0x0] =	wrdreg $0x60  }
0xaf: {  	[dreg:$0x2] =	wrdreg s2  }
0xb0: {  	[dreg:$0x3] =	wrdreg s24  }
0xb1: {  	[dreg:$0x4] =	wrdreg s18  }
0xb2: {  	[dreg:$0x5] =	wrdreg $0x9  }
0xb3: {  	_ =	task.clear_ibuf [dreg:s8], $0x6FFFF;
	_ =	strace $0x90000046  }
0xb4: {  	s29 =	simm.s32 $0x9;
	_ =	strace $0x80000048  }
0xb5: {  	_ =	swait.ge [sflag:s29], $0x1  }
0xb6: {  	[sflag:s29] =	ssyncadd.s32 $0xFFFFFFFF  }
0xb7: {  	_ =	strace $0x90000048  }
0xb8: {  	_ =	sfence  }
0xb9: {  	s30 =	sld [smem:$0x0];
	_ =	sdelay $0x2  }
0xba: {  	s31 =	sshll.u32 s1, $0xD;
	s1 =	sshrl.u32 s1, $0x2  }
0xbb: {  	s3 =	sand.u32 $0x4000, s31;
	s1 =	sadd.s32 s1, s30  }
0xbc: {  	s0 =	sor.u32 s3, s0;
	s1 =	sshll.u32 s1, $0x11  }
0xbd: {  	s0 =	sor.u32 s1, s0  }
0xbe: {  	s0 =	sadd.s32 $0x8F2B, s0  }
0xbf: {  	[sflag:s0] =	ssyncadd.remote.s32 $0x1  }
0xc0: {  	_ =	sfence.sel $0xFFFF  }
0xc1: {  	[dreg:$0x0] =	wrdreg $0xFFFFFFFF;
	(pc) =	sbr.abs _section_cstart, $3  }
0xc2: {  	[dreg:$0x1] =	wrdreg $0xFFFFFFFF  }
0xc3: {  	_ =	task.clear_ibuf [dreg:s8], $0x2FFFF;
	_ =	strace $0x9FFFFFFF  }
0xc4: {  	(tm) =	ssettm $0x7FFFFFFF  }
0xc5: {  	_ =	shalt  }
tec
execute0_lowered:
.L_overlay_start_1:
0x0: {  	(tag) =	ssettag $0x1  }
0x1: {  	s6 =	rddreg [dreg:$0x0]  }
0x2: {  	s3 =	rddreg [dreg:$0x1]  }
0x3: {  	s4 =	rddreg [dreg:$0x2]  }
0x4: {  	s0 =	rddreg [dreg:$0x3];
	s2 =	simm.s32 $0x0;
	s5 =	srdreg.scid  }
0x5: {  	s1 =	stileid.u32;
	s12 =	simm.s32 $0x2400;
	s13 =	simm.s32 $0x180  }
0x6: {  	s14 =	simm.s32 $0x3400;
	s15 =	simm.s32 $0x200;
	s16 =	simm.s32 $0x4400  }
0x7: {  	s17 =	simm.s32 $0x280;
	s18 =	simm.s32 $0x5400;
	s19 =	simm.s32 $0x300  }
0x8: {  	s20 =	simm.s32 $0x6400;
	s21 =	simm.s32 $0x380;
	s22 =	simm.s32 $0x7400  }
0x9: {  	s23 =	simm.s32 $0x1;
	s24 =	simm.s32 $0x0;
	s7 =	smul.u32 $0xC800, s1  }
0xa: {  	[smem:$0x7FF] =	sst s2;
	s5 =	sand.u32 $0x1, s5;
	s10 =	smul.u32 $0x32000, s1  }
0xb: {  	s3 =	sadd.s32 $0xF42C00, s3;
	s8 =	smul.u32 $0x6400, s5;
	s9 =	ssub.s32 $0x2, s5  }
0xc: {  	_ =	strace $0x80000047;
	s5 =	smul.u32 $0x19000, s5;
	s11 =	sshrl.u32 s9, $0x1  }
0xd: {  	s31 =	sadd.s32 s10, s4;
	s10 =	simm.s32 $0x1400;
	s7 =	sadd.s32 s8, s7  }
0xe: {  	s30 =	ssub.s32 s9, s11;
	s5 =	sadd.s32 s5, s31;
	s8 =	simm.s32 $0x80  }
0xf: {  	s9 =	simm.s32 $0x400;
	s11 =	simm.s32 $0x100;
	s7 =	sshrl.u32 s7, $0x3  }
0x10: {  	s4 =	smax.u32 s30, $0x1;
	s6 =	sadd.s32 s7, s6;
	s7 =	simm.s32 $0x2  }
.LBB2_1:
0x11: {  	s25 =	sadd.s32 $0x0, s6  }
0x12: {  	[tilespmem:s2], [sflag:$0x2] =	stream.linear.gather [hbm4b:s25+s2], $0x400, $0x38;
	[tilespmem:$0x8400] =	vst v63  }
0x13: {  	_ =	swait.ge [sflag:s7], $0x400  }
0x14: {  	[sflag:s7] =	ssyncset.done $0x0  }
0x15: {  	[sflag:s7] =	ssyncadd.s32 $0xFFFFFC00  }
0x16: {  	[tilespmem:s9], [sflag:$0x1] =	stream.indirect.gather [hbm4b:s3+s8], $0x20, s2, s8, $0xb8;
	[tilespmem:$0x8400] =	vst v63  }
0x17: {  	_ = 	snop  }
0x18: {  	[tilespmem:s10], [sflag:$0x1] =	stream.indirect.gather [hbm4b:s3+s8], $0x20, s8, s8, $0xb8;
	[tilespmem:$0x8400] =	vst v63  }
0x19: {  	_ = 	snop  }
0x1a: {  	[tilespmem:s12], [sflag:$0x1] =	stream.indirect.gather [hbm4b:s3+s8], $0x20, s11, s8, $0xb8;
	[tilespmem:$0x8400] =	vst v63  }
0x1b: {  	_ = 	snop  }
0x1c: {  	[tilespmem:s14], [sflag:$0x1] =	stream.indirect.gather [hbm4b:s3+s8], $0x20, s13, s8, $0xb8;
	[tilespmem:$0x8400] =	vst v63  }
0x1d: {  	_ = 	snop  }
0x1e: {  	[tilespmem:s16], [sflag:$0x1] =	stream.indirect.gather [hbm4b:s3+s8], $0x20, s15, s8, $0xb8;
	[tilespmem:$0x8400] =	vst v63  }
0x1f: {  	_ = 	snop  }
0x20: {  	[tilespmem:s18], [sflag:$0x1] =	stream.indirect.gather [hbm4b:s3+s8], $0x20, s17, s8, $0xb8;
	[tilespmem:$0x8400] =	vst v63  }
0x21: {  	_ = 	snop  }
0x22: {  	[tilespmem:s20], [sflag:$0x1] =	stream.indirect.gather [hbm4b:s3+s8], $0x20, s19, s8, $0xb8;
	[tilespmem:$0x8400] =	vst v63  }
0x23: {  	_ = 	snop  }
0x24: {  	[tilespmem:s22], [sflag:$0x1] =	stream.indirect.gather [hbm4b:s3+s8], $0x20, s21, s8, $0xb8;
	[tilespmem:$0x8400] =	vst v63  }
0x25: {  	_ =	swait.ge [sflag:s23], $0x1000  }
0x26: {  	[sflag:s23] =	ssyncset.done $0x0  }
0x27: {  	[sflag:s23] =	ssyncadd.s32 $0xFFFFF000  }
0x28: {  	_ =	swait.ge [sflag:s23], $0x1000  }
0x29: {  	[sflag:s23] =	ssyncset.done $0x0  }
0x2a: {  	[sflag:s23] =	ssyncadd.s32 $0xFFFFF000  }
0x2b: {  	_ =	swait.ge [sflag:s23], $0x1000  }
0x2c: {  	[sflag:s23] =	ssyncset.done $0x0  }
0x2d: {  	[sflag:s23] =	ssyncadd.s32 $0xFFFFF000  }
0x2e: {  	_ =	swait.ge [sflag:s23], $0x1000  }
0x2f: {  	[sflag:s23] =	ssyncset.done $0x0  }
0x30: {  	[sflag:s23] =	ssyncadd.s32 $0xFFFFF000  }
0x31: {  	_ =	swait.ge [sflag:s23], $0x1000  }
0x32: {  	[sflag:s23] =	ssyncset.done $0x0  }
0x33: {  	[sflag:s23] =	ssyncadd.s32 $0xFFFFF000  }
0x34: {  	_ =	swait.ge [sflag:s23], $0x1000  }
0x35: {  	[sflag:s23] =	ssyncset.done $0x0  }
0x36: {  	[sflag:s23] =	ssyncadd.s32 $0xFFFFF000  }
0x37: {  	_ =	swait.ge [sflag:s23], $0x1000  }
0x38: {  	[sflag:s23] =	ssyncset.done $0x0  }
0x39: {  	[sflag:s23] =	ssyncadd.s32 $0xFFFFF000  }
0x3a: {  	_ =	swait.ge [sflag:s23], $0x1000  }
0x3b: {  	[sflag:s23] =	ssyncset.done $0x0  }
0x3c: {  	[sflag:s23] =	ssyncadd.s32 $0xFFFFF000  }
0x3d: {  	[hbm4b:s5+s2] =	stream.linear.scatter [tilespmem:s9], [sflag:$0x2], $0x8000, $0x38;
	[tilespmem:$0x8400] =	vst v63  }
0x3e: {  	s26 =	simm.s32 $0x80;
	_ =	swait.ge [sflag:s7], $0x8000  }
0x3f: {  	s29 =	simm.s32 $0x100;
	s25 =	sadd.s32 $0x1000, s5;
	[sflag:s7] =	ssyncset.done $0x0  }
.LBB2_2:
0x40: {  	s30 =	sadd.s32 s26, s6  }
0x41: {  	[sflag:s7] =	ssyncadd.s32 $0xFFFF8000;
	s26 =	smov.u32 s29;
	s28 =	sadd.s32 $0x80, s29  }
0x42: {  	[tilespmem:s2], [sflag:$0x2] =	stream.linear.gather [hbm4b:s30+s2], $0x400, $0x38;
	[tilespmem:$0x8400] =	vst v63  }
0x43: {  	p0 =	sne.s32 s29, $0xC00;
	_ =	swait.ge [sflag:s7], $0x400  }
0x44: {  	[sflag:s7] =	ssyncset.done $0x0  }
0x45: {  	[sflag:s7] =	ssyncadd.s32 $0xFFFFFC00  }
0x46: {  	[tilespmem:s9], [sflag:$0x1] =	stream.indirect.gather [hbm4b:s3+s8], $0x20, s2, s8, $0xb8;
	[tilespmem:$0x8400] =	vst v63  }
0x47: {  	_ = 	snop  }
0x48: {  	[tilespmem:s10], [sflag:$0x1] =	stream.indirect.gather [hbm4b:s3+s8], $0x20, s8, s8, $0xb8;
	[tilespmem:$0x8400] =	vst v63  }
0x49: {  	_ = 	snop  }
0x4a: {  	[tilespmem:s12], [sflag:$0x1] =	stream.indirect.gather [hbm4b:s3+s8], $0x20, s11, s8, $0xb8;
	[tilespmem:$0x8400] =	vst v63  }
0x4b: {  	_ = 	snop  }
0x4c: {  	[tilespmem:s14], [sflag:$0x1] =	stream.indirect.gather [hbm4b:s3+s8], $0x20, s13, s8, $0xb8;
	[tilespmem:$0x8400] =	vst v63  }
0x4d: {  	_ = 	snop  }
0x4e: {  	[tilespmem:s16], [sflag:$0x1] =	stream.indirect.gather [hbm4b:s3+s8], $0x20, s15, s8, $0xb8;
	[tilespmem:$0x8400] =	vst v63  }
0x4f: {  	_ = 	snop  }
0x50: {  	[tilespmem:s18], [sflag:$0x1] =	stream.indirect.gather [hbm4b:s3+s8], $0x20, s17, s8, $0xb8;
	[tilespmem:$0x8400] =	vst v63  }
0x51: {  	_ = 	snop  }
0x52: {  	[tilespmem:s20], [sflag:$0x1] =	stream.indirect.gather [hbm4b:s3+s8], $0x20, s19, s8, $0xb8;
	[tilespmem:$0x8400] =	vst v63  }
0x53: {  	_ = 	snop  }
0x54: {  	[tilespmem:s22], [sflag:$0x1] =	stream.indirect.gather [hbm4b:s3+s8], $0x20, s21, s8, $0xb8;
	[tilespmem:$0x8400] =	vst v63  }
0x55: {  	_ =	swait.ge [sflag:s23], $0x1000  }
0x56: {  	[sflag:s23] =	ssyncset.done $0x0  }
0x57: {  	[sflag:s23] =	ssyncadd.s32 $0xFFFFF000  }
0x58: {  	_ =	swait.ge [sflag:s23], $0x1000  }
0x59: {  	[sflag:s23] =	ssyncset.done $0x0  }
0x5a: {  	[sflag:s23] =	ssyncadd.s32 $0xFFFFF000  }
0x5b: {  	_ =	swait.ge [sflag:s23], $0x1000  }
0x5c: {  	[sflag:s23] =	ssyncset.done $0x0  }
0x5d: {  	[sflag:s23] =	ssyncadd.s32 $0xFFFFF000  }
0x5e: {  	_ =	swait.ge [sflag:s23], $0x1000  }
0x5f: {  	[sflag:s23] =	ssyncset.done $0x0  }
0x60: {  	[sflag:s23] =	ssyncadd.s32 $0xFFFFF000  }
0x61: {  	_ =	swait.ge [sflag:s23], $0x1000  }
0x62: {  	[sflag:s23] =	ssyncset.done $0x0  }
0x63: {  	[sflag:s23] =	ssyncadd.s32 $0xFFFFF000  }
0x64: {  	_ =	swait.ge [sflag:s23], $0x1000  }
0x65: {  	[sflag:s23] =	ssyncset.done $0x0  }
0x66: {  	[sflag:s23] =	ssyncadd.s32 $0xFFFFF000  }
0x67: {  	_ =	swait.ge [sflag:s23], $0x1000  }
0x68: {  	[sflag:s23] =	ssyncset.done $0x0  }
0x69: {  	[sflag:s23] =	ssyncadd.s32 $0xFFFFF000  }
0x6a: {  	_ =	swait.ge [sflag:s23], $0x1000  }
.Ltmp0:
0x6b: {  	[sflag:s23] =	ssyncset.done $0x0;
	(pc) =	sbr.rel @p0 .LBB2_2-.Ltmp0, $4  }
0x6c: {  	[sflag:s23] =	ssyncadd.s32 $0xFFFFF000  }
0x6d: {  	[hbm4b:s25+s2] =	stream.linear.scatter [tilespmem:s9], [sflag:$0x2], $0x8000, $0x38;
	[tilespmem:$0x8400] =	vst v63  }
0x6e: {  	_ =	swait.ge [sflag:s7], $0x8000  }
0x6f: {  	s29 =	smov.u32 s28;
	s25 =	sadd.s32 $0x1000, s25;
	[sflag:s7] =	ssyncset.done $0x0  }
0x70: {  	s26 =	sadd.s32 s26, s6;
	[sflag:s7] =	ssyncadd.s32 $0xFFFF8000  }
0x71: {  	[tilespmem:s2], [sflag:$0x2] =	stream.linear.gather [hbm4b:s26+s2], $0x400, $0x38;
	[tilespmem:$0x8400] =	vst v63  }
0x72: {  	_ =	swait.ge [sflag:s7], $0x400  }
0x73: {  	[sflag:s7] =	ssyncset.done $0x0  }
0x74: {  	[sflag:s7] =	ssyncadd.s32 $0xFFFFFC00  }
0x75: {  	[tilespmem:s9], [sflag:$0x1] =	stream.indirect.gather [hbm4b:s3+s8], $0x20, s2, s8, $0xb8;
	[tilespmem:$0x8400] =	vst v63  }
0x76: {  	_ = 	snop  }
0x77: {  	[tilespmem:s10], [sflag:$0x1] =	stream.indirect.gather [hbm4b:s3+s8], $0x20, s8, s8, $0xb8;
	[tilespmem:$0x8400] =	vst v63  }
0x78: {  	_ = 	snop  }
0x79: {  	[tilespmem:s12], [sflag:$0x1] =	stream.indirect.gather [hbm4b:s3+s8], $0x20, s11, s8, $0xb8;
	[tilespmem:$0x8400] =	vst v63  }
0x7a: {  	_ = 	snop  }
0x7b: {  	[tilespmem:s14], [sflag:$0x1] =	stream.indirect.gather [hbm4b:s3+s8], $0x20, s13, s8, $0xb8;
	[tilespmem:$0x8400] =	vst v63  }
0x7c: {  	_ = 	snop  }
0x7d: {  	[tilespmem:s16], [sflag:$0x1] =	stream.indirect.gather [hbm4b:s3+s8], $0x20, s15, s8, $0xb8;
	[tilespmem:$0x8400] =	vst v63  }
0x7e: {  	_ = 	snop  }
0x7f: {  	[tilespmem:s18], [sflag:$0x1] =	stream.indirect.gather [hbm4b:s3+s8], $0x20, s17, s8, $0xb8;
	[tilespmem:$0x8400] =	vst v63  }
0x80: {  	_ = 	snop  }
0x81: {  	[tilespmem:s20], [sflag:$0x1] =	stream.indirect.gather [hbm4b:s3+s8], $0x20, s19, s8, $0xb8;
	[tilespmem:$0x8400] =	vst v63  }
0x82: {  	_ = 	snop  }
0x83: {  	[tilespmem:s22], [sflag:$0x1] =	stream.indirect.gather [hbm4b:s3+s8], $0x20, s21, s8, $0xb8;
	[tilespmem:$0x8400] =	vst v63  }
0x84: {  	_ =	swait.ge [sflag:s23], $0x1000  }
0x85: {  	[sflag:s23] =	ssyncset.done $0x0  }
0x86: {  	[sflag:s23] =	ssyncadd.s32 $0xFFFFF000  }
0x87: {  	_ =	swait.ge [sflag:s23], $0x1000  }
0x88: {  	[sflag:s23] =	ssyncset.done $0x0  }
0x89: {  	[sflag:s23] =	ssyncadd.s32 $0xFFFFF000  }
0x8a: {  	_ =	swait.ge [sflag:s23], $0x1000  }
0x8b: {  	[sflag:s23] =	ssyncset.done $0x0  }
0x8c: {  	[sflag:s23] =	ssyncadd.s32 $0xFFFFF000  }
0x8d: {  	_ =	swait.ge [sflag:s23], $0x1000  }
0x8e: {  	[sflag:s23] =	ssyncset.done $0x0  }
0x8f: {  	[sflag:s23] =	ssyncadd.s32 $0xFFFFF000  }
0x90: {  	_ =	swait.ge [sflag:s23], $0x1000  }
0x91: {  	[sflag:s23] =	ssyncset.done $0x0  }
0x92: {  	[sflag:s23] =	ssyncadd.s32 $0xFFFFF000  }
0x93: {  	_ =	swait.ge [sflag:s23], $0x1000  }
0x94: {  	[sflag:s23] =	ssyncset.done $0x0  }
0x95: {  	[sflag:s23] =	ssyncadd.s32 $0xFFFFF000  }
0x96: {  	_ =	swait.ge [sflag:s23], $0x1000  }
0x97: {  	[sflag:s23] =	ssyncset.done $0x0  }
0x98: {  	[sflag:s23] =	ssyncadd.s32 $0xFFFFF000  }
0x99: {  	s24 =	sadd.s32 $0x1, s24;
	_ =	swait.ge [sflag:s23], $0x1000  }
0x9a: {  	p0 =	sne.s32 s24, s4;
	[sflag:s23] =	ssyncset.done $0x0  }
.Ltmp1:
0x9b: {  	[sflag:s23] =	ssyncadd.s32 $0xFFFFF000;
	(pc) =	sbr.rel @p0 .LBB2_1-.Ltmp1, $4  }
0x9c: {  	[hbm4b:s25+s2] =	stream.linear.scatter [tilespmem:s9], [sflag:$0x2], $0x8000, $0x38;
	[tilespmem:$0x8400] =	vst v63  }
0x9d: {  	_ =	swait.ge [sflag:s7], $0x8000  }
0x9e: {  	[sflag:s7] =	ssyncset.done $0x0  }
0x9f: {  	[sflag:s7] =	ssyncadd.s32 $0xFFFF8000  }
0xa0: {  	_ =	sfence.sel $0x180000  }
0xa1: {  	[bflag:$0x0] =	sbarrier.arrive $0xFFFF  }
0xa2: {  	p0 =	sne.s32 s1, $0x0;
	_ =	strace $0x90000047  }
0xa3: {  	s0 =	sadd.s32 @!p0 $0x100000, s0;
	[bflag:$0x2] =	sbarrier.arrive $0xFFFF  }
0xa4: {  	[sflag:s0] =	ssyncadd.tile.s32 @!p0 $0x1;
	_ =	shalt  }
.Lfunc_end2:
_tile_overlayer_lowered:
.L_overlay_start_2:
0xa5: {  	(tag) =	ssettag $0x2  }
0xa6: {  	s0 =	rddreg [dreg:$0x0];
	s2 =	stileid.u32  }
0xa7: {  	s1 =	rddreg [dreg:$0x1];
	p0 =	sne.s32 s2, $0x0  }
0xa8: {  	s3 =	rddreg [dreg:$0x2];
	[bflag:$0x3] =	sbarrier.arrive $0xFFFF;
	s2 =	simm.s32 @!p0 $0x1C02  }
0xa9: {  	[timem:s3], [sflag:s2] =	dma.local @!p0 [hbm:s0], s1  }
0xaa: {  	s0 =	simm.s32 @!p0 $0x2  }
0xab: {  	_ =	swait.ge @!p0 [sflag:s0], s1  }
0xac: {  	s1 =	ssub.s32 @!p0 $0x0, s1;
	[sflag:s0] =	ssyncset.done @!p0 $0x0  }
0xad: {  	[sflag:s0] =	ssyncadd.s32 @!p0 s1  }
0xae: {  	[bflag:$0x3] =	sbarrier.arrive $0xFFFF  }
0xaf: {  	_ =	shalt  }

// kernel: sparse-core-data-format-call.cloned.1.call-start
scs
called_computation_lowered:
.L_overlay_start_0:
0x0: {  	s2 =	sld [smem:$0x3FD9]  }
0x1: {  	s3 =	sld [smem:$0x3FFE];
	_ =	sdelay $0x1  }
0x2: {  	s1 =	srdreg.scid  }
0x3: {  	s0 =	sand.u32 $0x1, s1  }
0x4: {  	s18 =	sshll.u32 s0, $0xA;
	s2 =	sadd.s32 s3, s2  }
0x5: {  	s2 =	sadd.s32 s2, s18  }
0x6: {  	[smem:$0x3FC6] =	sst s2  }
0x7: {  	_ = 	snop  }
0x8: {  	s2 =	sld [smem:$0x3FD0];
	(tm) =	ssettm $0x1  }
0x9: {  	s19 =	sld [smem:$0x3FFB];
	_ =	sdelay $0x3  }
0xa: {  	_ =	strace s19  }
0xb: {  	s3 =	sld [smem:$0x3FFC];
	_ =	sdelay $0x3  }
0xc: {  	_ =	strace s3  }
0xd: {  	s3 =	sld [smem:$0x3FFD];
	_ =	sdelay $0x3  }
0xe: {  	_ =	strace s3  }
0xf: {  	_ =	strace $0x8FFFFFFF  }
0x10: {  	s20 =	sld [smem:$0x3FDB];
	_ =	sdelay $0x1  }
0x11: {  	s4 =	simm.s32 $_scs_section_size  }
0x12: {  	s5 =	simm.s32 $_size__tile_overlayer_lowered;
	s6 =	simm.s32 $_tile_overlayer_lowered  }
0x13: {  	s23 =	simm.s32 $0x1BFF;
	s22 =	sshll.u32 s6, $0x1;
	s3 =	sadd.s32 s4, s20  }
0x14: {  	s7 =	simm.s32 $0x0;
	s21 =	sshll.u32 s5, $0x1;
	s5 =	sadd.s32 s22, s3  }
0x15: {  	[timem:s7], [sflag:s23] =	dma.local [hbm:s5], s21  }
0x16: {  	_ =	swait.ge [sflag:s23], s21  }
0x17: {  	s4 =	ssub.s32 $0x0, s21;
	[sflag:s23] =	ssyncset.done $0x0  }
0x18: {  	[sflag:s23] =	ssyncadd.s32 s4;
	_ =	sdelay $0x1  }
0x19: {  	s24 =	simm.s32 $0x1B8B  }
0x1a: {  	_ =	swait.ge [sflag:s24], $0x1  }
0x1b: {  	[sflag:s24] =	ssyncset.done $0x0  }
0x1c: {  	s26 =	simm.s32 $0x1B8E;
	s25 =	sld [smem:$0x3FFE];
	[sflag:s24] =	ssyncadd.s32 $0xFFFFFFFF  }
0x1d: {  	s27 =	simm.s32 $execute0_lowered;
	[smem:$0x3FD2] =	sst s26  }
0x1e: {  	s5 =	sshll.u32 s27, $0x1;
	_ =	strace $0x80000049;
	[dreg:$0x1] =	wrdreg $0xFFFFFFFF  }
0x1f: {  	s28 =	simm.s32 $_size_execute0_lowered;
	s3 =	sadd.s32 s3, s5;
	[dreg:$0x0] =	wrdreg $0x0  }
0x20: {  	s5 =	sshll.u32 s28, $0x1;
	[dreg:$0x2] =	wrdreg s3  }
0x21: {  	[dreg:$0x3] =	wrdreg s5  }
0x22: {  	[dreg:$0x4] =	wrdreg $0xC0  }
0x23: {  	_ =	task [dreg:s7], $0x5FFFF  }
0x24: {  	[dreg:$0x1] =	wrdreg $0xFFFFFFFF  }
0x25: {  	[dreg:$0x0] =	wrdreg $0x60  }
0x26: {  	[dreg:$0x2] =	wrdreg s25  }
0x27: {  	[dreg:$0x3] =	wrdreg s2  }
0x28: {  	[dreg:$0x4] =	wrdreg $0x9  }
0x29: {  	_ =	task.clear_ibuf [dreg:s7], $0x5FFFF;
	_ =	strace $0x90000049  }
0x2a: {  	s29 =	simm.s32 $0x9;
	_ =	strace $0x8000004B  }
0x2b: {  	_ =	swait.ge [sflag:s29], $0x1  }
0x2c: {  	[sflag:s29] =	ssyncadd.s32 $0xFFFFFFFF  }
0x2d: {  	_ =	strace $0x9000004B  }
0x2e: {  	_ =	sfence  }
0x2f: {  	s30 =	sld [smem:$0x0];
	_ =	sdelay $0x2  }
0x30: {  	s31 =	sshll.u32 s1, $0xD;
	s1 =	sshrl.u32 s1, $0x2  }
0x31: {  	s3 =	sand.u32 $0x4000, s31;
	s1 =	sadd.s32 s1, s30  }
0x32: {  	s0 =	sor.u32 s3, s0;
	s1 =	sshll.u32 s1, $0x11  }
0x33: {  	s0 =	sor.u32 s1, s0  }
0x34: {  	s0 =	sadd.s32 $0x8F2B, s0  }
0x35: {  	[sflag:s0] =	ssyncadd.remote.s32 $0x1  }
0x36: {  	_ =	sfence.sel $0xFFFF  }
0x37: {  	[dreg:$0x0] =	wrdreg $0xFFFFFFFF;
	(pc) =	sbr.abs _section_cstart, $3  }
0x38: {  	[dreg:$0x1] =	wrdreg $0xFFFFFFFF  }
0x39: {  	_ =	task.clear_ibuf [dreg:s7], $0x2FFFF;
	_ =	strace $0x9FFFFFFF  }
0x3a: {  	(tm) =	ssettm $0x7FFFFFFF  }
0x3b: {  	_ =	shalt  }
tec
execute0_lowered:
.L_overlay_start_1:
0x0: {  	(tag) =	ssettag $0x1  }
0x1: {  	s0 =	srdreg.scid  }
0x2: {  	s1 =	sshll.u32 s0, $0x4  }
0x3: {  	s4 =	rddreg [dreg:$0x0];
	s0 =	stileid.u32;
	s1 =	sand.u32 $0x10, s1  }
0x4: {  	s2 =	rddreg [dreg:$0x1];
	s7 =	simm.s32 $0x1;
	s1 =	sor.u32 s0, s1  }
0x5: {  	s8 =	simm.s32 $0x2;
	s11 =	simm.s32 $0x0;
	s3 =	sshll.u32 s1, $0x7  }
0x6: {  	s10 =	simm.s32 $0x0;
	s4 =	sadd.s32 $0x800, s4;
	s6 =	ssub.s32 $0xC8000, s3  }
.Ltmp0:
0x7: {  	s1 =	rddreg [dreg:$0x2];
	s5 =	sand.u32 $0xF80, s6;
	(pc) =	sbr.rel .LBB1_1-.Ltmp0, $4  }
0x8: {  	_ =	strace $0x8000004A;
	s9 =	smov.u32 s3;
	p0 =	sne.s32 s5, $0x0  }
0x9: {  	s6 =	sshrl.u32 s6, $0xC;
	s5 =	simm.s32 $0x1;
	s7 =	simm.s32 @!p0 $0x0  }
0xa: {  	[sflag:s5] =	ssyncpa.u1 $0x0;
	p0 =	por $0x0, $0x0;
	s6 =	sadd.s32 s7, s6  }
0xb: {  	[sflag:s8] =	ssyncpa.u1 $0x0;
	s8 =	simm.s32 $0x640000;
	s7 =	sadd.s32 $0x1, s6  }
.LBB1_4:
0xc: {  	s14 =	sshll.u32 s11, $0x3  }
0xd: {  	s30 =	sand.u32 $0x7F, s11;
	s15 =	sand.u32 $0xFFFFFC00, s14  }
0xe: {  	s11 =	sor.u32 s30, s15  }
0xf: {  	s15 =	smulhi.u32 $0x51EB851F, s11  }
0x10: {  	s14 =	smulhi.u32 $0x51EB851F, s14  }
0x11: {  	s15 =	sshrl.u32 s15, $0x12  }
0x12: {  	s14 =	sshrl.u32 s14, $0x12;
	s15 =	smul.u32 $0xC8000, s15  }
0x13: {  	s14 =	sand.u32 $0x1F, s14  }
0x14: {  	s14 =	smul.u32 $0x19000, s14;
	s11 =	ssub.s32 s11, s15  }
0x15: {  	s15 =	sand.u32 $0x7, s11  }
0x16: {  	s14 =	sadd.s32 s2, s14;
	s11 =	sshrl.u32 s11, $0x3;
	s15 =	sshll.u32 s15, $0x12  }
0x17: {  	[tilespmem:s13+$0x0 ss:$0x81] =	vst.msk $0xffff, v0;
	s11 =	sadd.s32 s11, s14;
	s31 =	sor.u32 $0x400, s15  }
0x18: {  	[hbm4b:s11+s31] =	stream.strided.scatter [tilespmem:s12], [sflag:$0x2], $0x1000, s8, s31, $0x20;
	[tilespmem:$0x4040] =	vst v63  }
.LBB1_5:
0x19: {  	s13 =	sadd.s32 $0x1000, s9  }
0x1a: {  	p2 =	sgt.s32 s13, $0xC7FFF  }
0x1b: {  	s13 =	smov.u32 @p2 s3;
	p2 =	sne.s32 s10, s7  }
.Ltmp1:
0x1c: {  	p1 =	slt.u32 s10, $0x2;
	(pc) =	sbr.rel @!p2 .LBB1_6-.Ltmp1, $4  }
0x1d: {  	s12 =	simm.s32 @!p1 $0x2  }
0x1e: {  	s14 =	sadd.s32 $0x1, s10;
	_ =	swait.ge @!p1 [sflag:s12], $0x1000  }
0x1f: {  	s11 =	smov.u32 s9;
	p0 =	por !p0, !p0;
	[sflag:s12] =	ssyncset.done @!p1 $0x0  }
0x20: {  	s10 =	smov.u32 s14;
	s9 =	smov.u32 s13;
	[sflag:s12] =	ssyncadd.s32 @!p1 $0xFFFFF000  }
.LBB1_1:
0x21: {  	p1 =	sge.u32 s10, s6  }
0x22: {  	s12 =	sand.u32 @!p1 $0x1FFFFFF, s9  }
0x23: {  	s13 =	smulhi.u32 @!p1 $0x147AE15, s12;
	_ =	sdelay $0x1  }
0x24: {  	s13 =	sshrl.u32 @!p1 s13, $0xC  }
0x25: {  	s13 =	smul.u32 @!p1 $0xC8000, s13;
	_ =	sdelay $0x1  }
0x26: {  	s31 =	sadd.s32 $0xFFFFFFFF, s10;
	s14 =	sxor.u32 @!p1 $0xFFFFFFFF, s10;
	s12 =	ssub.s32 @!p1 s12, s13  }
0x27: {  	s15 =	simm.s32 @!p1 $0x80;
	s14 =	sshll.u32 @!p1 s14, $0xC;
	s12 =	sshll.u32 @!p1 s12, $0x4  }
0x28: {  	s13 =	sand.u32 @!p1 $0x1000, s14;
	s14 =	simm.s32 @!p1 $0x20;
	s12 =	sadd.s32 @!p1 s4, s12  }
0x29: {  	[tilespmem:s13], [sflag:$0x1] =	stream.strided.gather @!p1 [hbm4b:s12+s14], $0x1000, s15, s14, $0x38;
	[tilespmem:$0x4040] =	vst v63  }
0x2a: {  	p1 =	sge.u32 s31, s6  }
.Ltmp2:
0x2b: {  	_ = 	snop;
	(pc) =	sbr.rel @p1 .LBB1_5-.Ltmp2, $1  }
0x2c: {  	_ =	sdelay $0x3  }
0x2d: {  	s12 =	simm.s32 $0x1  }
0x2e: {  	_ =	swait.ge [sflag:s5], $0x1000;
	s12 =	simm.s32 @!p0 $0x0  }
0x2f: {  	[sflag:s5] =	ssyncset.done $0x0;
	s13 =	sshll.u32 s12, $0xC  }
0x30: {  	[sflag:s5] =	ssyncadd.s32 $0xFFFFF000;
	s16 =	sor.u32 $0x10, s13  }
0x31: {  	s12 =	smul.u32 $0x4080, s12;
	v1 =	vld [tilespmem:s16+$0x0]  }
0x32: {  	s30 =	sand.u32 $0x1, s10;
	v0 =	vld [tilespmem:s16+$0xFFFFFFF0]  }
0x33: {  	s13 =	smul.u32 $0x4080, s30;
	s12 =	sshrl.u32 s12, $0x2  }
0x34: {  	s14 =	sor.u32 $0x2000, s12  }
0x35: {  	s31 =	sshrl.u32 s13, $0x2;
	s13 =	sadd.s32 $0x0, s14  }
0x36: {  	s15 =	simm.s32 $0x4;
	s16 =	sadd.s32 $0x20, s16;
	s12 =	sor.u32 $0x2000, s31;
	[tilespmem:s13+$0x810 ss:$0x81] =	vst.msk $0xffff, v1  }
.LBB1_3:
0x37: {  	v1 =	vld [tilespmem:s16+$0x0];
	p1 =	sne.s32 s15, $0x1FC;
	[tilespmem:s13+$0x0 ss:$0x81] =	vst.msk $0xffff, v0;
	s13 =	smov.u32 s15;
	s15 =	sadd.s32 $0x4, s15  }
.Ltmp3:
0x38: {  	v0 =	vld [tilespmem:s16+$0xFFFFFFF0];
	(pc) =	sbr.rel @p1 .LBB1_3-.Ltmp3, $4  }
0x39: {  	_ = 	snop  }
0x3a: {  	s13 =	sshra.s32 s13, $0x2  }
0x3b: {  	s13 =	sadd.s32 s13, s14  }
0x3c: {  	s16 =	sadd.s32 $0x20, s16;
	[tilespmem:s13+$0x810 ss:$0x81] =	vst.msk $0xffff, v1  }
.Ltmp4:
0x3d: {  	_ = 	snop;
	(pc) =	sbr.rel .LBB1_4-.Ltmp4, $1  }
0x3e: {  	_ =	sdelay $0x3  }
.LBB1_6:
0x3f: {  	_ =	sfence.sel $0x180000  }
0x40: {  	s2 =	simm.s32 $0x1;
	[bflag:$0x0] =	sbarrier.arrive $0xFFFF  }
0x41: {  	s31 =	simm.s32 $0x2;
	[sflag:s2] =	ssyncpa.u1 $0x1  }
0x42: {  	[sflag:s31] =	ssyncpa.u1 $0x1  }
0x43: {  	p0 =	sne.s32 s0, $0x0;
	_ =	strace $0x9000004A  }
0x44: {  	s0 =	sadd.s32 @!p0 $0x100000, s1;
	[bflag:$0x2] =	sbarrier.arrive $0xFFFF  }
0x45: {  	[sflag:s0] =	ssyncadd.tile.s32 @!p0 $0x1;
	_ =	shalt  }
.Lfunc_end1:
_tile_overlayer_lowered:
.L_overlay_start_2:
0x46: {  	(tag) =	ssettag $0x2  }
0x47: {  	s0 =	rddreg [dreg:$0x0];
	s2 =	stileid.u32  }
0x48: {  	s1 =	rddreg [dreg:$0x1];
	p0 =	sne.s32 s2, $0x0  }
0x49: {  	s3 =	rddreg [dreg:$0x2];
	[bflag:$0x3] =	sbarrier.arrive $0xFFFF;
	s2 =	simm.s32 @!p0 $0x1C01  }
0x4a: {  	[timem:s3], [sflag:s2] =	dma.local @!p0 [hbm:s0], s1  }
0x4b: {  	s0 =	simm.s32 @!p0 $0x1  }
0x4c: {  	_ =	swait.ge @!p0 [sflag:s0], s1  }
0x4d: {  	s1 =	ssub.s32 @!p0 $0x0, s1;
	[sflag:s0] =	ssyncset.done @!p0 $0x0  }
0x4e: {  	[sflag:s0] =	ssyncadd.s32 @!p0 s1  }
0x4f: {  	[bflag:$0x3] =	sbarrier.arrive $0xFFFF  }
0x50: {  	_ =	shalt  }

</sc_bundles>
